<compile_context>
chip_gen: v7x
topology: tpu7x:2x2x1
jax: 0.10.2.dev20260603
libtpu: 0.0.44.dev20260713+nightly
codegen_flags: <defaults>
</compile_context>

<pallas_src>
import functools
import jax
import jax.numpy as jnp
from jax import lax
from jax.experimental import pallas as pl
from jax.experimental.pallas import tpu as pltpu
from jax.experimental.pallas import tpu_sc as plsc

NUM_FIELDS = 26
VOCAB = 100000
EMBED_DIM = 16
BATCH = 16384

_TOT = BATCH * NUM_FIELDS
_NW = 32
_RPW = _TOT // _NW
_G = 128
_NG = _RPW // _G
_L = 16


def _sc_body(table_hbm, idx_hbm, out_hbm, idx_v, rows_a, rows_b, sem_a, sem_b):
    wid = lax.axis_index("s") * 2 + lax.axis_index("c")
    base = wid * _RPW

    pltpu.sync_copy(idx_hbm.at[pl.ds(wid * _NG, _NG)], idx_v)

    iota = lax.iota(jnp.int32, _L)

    @pl.loop(0, _NG)
    def _adjust(g):
        row0 = base + g * _G
        for v in range(_G // _L):
            pos = row0 + v * _L + iota
            off = lax.rem(pos, NUM_FIELDS) * VOCAB
            sl = (g, pl.ds(v * _L, _L))
            idx_v[sl] = idx_v[sl] + off

    bufs = (rows_a, rows_b)
    sems = (sem_a, sem_b)

    cp0 = pltpu.make_async_copy(table_hbm.at[idx_v.at[0]], rows_a, sem_a)
    cp0.start()

    @pl.loop(0, _NG)
    def _gather(g):
        for b in range(2):
            @pl.when(lax.rem(g, 2) == b)
            def _():
                nxt = (b + 1) % 2
                @pl.when(g + 1 < _NG)
                def _():
                    pltpu.make_async_copy(
                        table_hbm.at[idx_v.at[g + 1]], bufs[nxt], sems[nxt]
                    ).start()
                pltpu.make_async_copy(
                    table_hbm.at[idx_v.at[g]], bufs[b], sems[b]
                ).wait()
                pltpu.sync_copy(bufs[b], out_hbm.at[pl.ds(base + g * _G, _G)])


@functools.partial(jax.jit, static_argnames=())
def kernel(x_cat, tables):
    idx2d = x_cat.astype(jnp.int32).reshape(_TOT // _G, _G)
    table_flat = tables.reshape(NUM_FIELDS * VOCAB, EMBED_DIM)

    mesh = plsc.VectorSubcoreMesh(core_axis_name="c", subcore_axis_name="s")
    run = pl.kernel(
        _sc_body,
        out_type=jax.ShapeDtypeStruct((_TOT, EMBED_DIM), jnp.float32),
        mesh=mesh,
        scratch_types=[
            pltpu.VMEM((_NG, _G), jnp.int32),
            pltpu.VMEM((_G, EMBED_DIM), jnp.float32),
            pltpu.VMEM((_G, EMBED_DIM), jnp.float32),
            pltpu.SemaphoreType.DMA,
            pltpu.SemaphoreType.DMA,
        ],
        compiler_params=pltpu.CompilerParams(use_tc_tiling_on_sc=False),
    )
    out = run(table_flat, idx2d)
    return out.reshape(BATCH, NUM_FIELDS * EMBED_DIM)

# --- scband reference (transcript-rebuilt; emitter-appended) ---
"""Pipeline reference for scband-feature-embedding-28346784154071 (READ-ONLY COPY).

The authoritative reference and input builder live on the scoring server;
editing this copy changes nothing except your own understanding.
"""

import jax, jax.numpy as jnp
import numpy as np

NUM_FIELDS = 26
VOCAB = 100000
EMBED_DIM = 16
BATCH = 16384

def setup_inputs(seed: int = 0) -> dict:
    key = jax.random.key(seed)
    k_idx, k_tab = jax.random.split(key)
    x_cat = jax.random.randint(k_idx, (BATCH, NUM_FIELDS), 0, VOCAB, dtype=jnp.int64 if jax.config.jax_enable_x64 else jnp.int32)
    tables = jax.random.normal(k_tab, (NUM_FIELDS, VOCAB, EMBED_DIM), dtype=jnp.float32)
    return {"x_cat": x_cat, "tables": tables}

def reference(x_cat, tables):
    # embeds[i] = tables[i][x_cat[:, i]] ; concat along feature dim
    # vmap over fields: result [B, F, D] -> reshape [B, F*D] matches torch.cat(dim=1)
    gathered = jax.vmap(lambda t, idx: jnp.take(t, idx, axis=0), in_axes=(0, 1), out_axes=1)(tables, x_cat)
    return gathered.reshape(x_cat.shape[0], NUM_FIELDS * EMBED_DIM)

if __name__ == "__main__":
    import jax
    _d = setup_inputs()
    print(jax.jit(kernel)(*tuple(_d.values())))

</pallas_src>

<mosaic_0001>
#map = affine_map<(d0, d1) -> (0, 0)>
module attributes {stable_mosaic.version = 14 : i64} {
  func.func @_sc_body(%arg0: i32, %arg1: i32, %arg2: memref<2600000x16xf32, #tpu.memory_space<hbm>>, %arg3: memref<3328x128xi32, #tpu.memory_space<hbm>>, %arg4: memref<425984x16xf32, #tpu.memory_space<hbm>>, %arg5: memref<104x128xi32, #tpu.memory_space<vmem>>, %arg6: memref<128x16xf32, #tpu.memory_space<vmem>>, %arg7: memref<128x16xf32, #tpu.memory_space<vmem>>, %arg8: memref<!tpu.dma_semaphore, #tpu.memory_space<semaphore_mem>>, %arg9: memref<!tpu.dma_semaphore, #tpu.memory_space<semaphore_mem>>) attributes {dimension_semantics = [#tpu.dimension_semantics<core_parallel>, #tpu.dimension_semantics<subcore_parallel>], iteration_bounds = array<i64: 2, 16>, scalar_prefetch = 0 : i64, scratch_operands = 5 : i64, tpu.core_type = #tpu.core_type<sc_vector_subcore>, window_params = [{transform_indices = #map}, {transform_indices = #map}, {transform_indices = #map}]} {
    %mul3A = arith.constant 2 : i32
    %mul3A_0 = arith.muli %arg1, %mul3A : i32
    %add3A = arith.addi %mul3A_0, %arg0 : i32
    %mul3A_1 = arith.constant 13312 : i32
    %mul3A_2 = arith.muli %add3A, %mul3A_1 : i32
    %mul3A_3 = arith.constant 104 : i32
    %mul3A_4 = arith.muli %add3A, %mul3A_3 : i32
    "tpu.region"() ({
      %run_scoped3A = tpu.sem_alloc : memref<!tpu.dma_semaphore, #tpu.memory_space<semaphore_mem>>
      %dma_start3A_20 = arith.constant 0 : i32
      %dma_start3A_21 = tpu.memref_slice %arg3[%mul3A_4, %dma_start3A_20] : memref<3328x128xi32, #tpu.memory_space<hbm>> -> memref<104x128xi32, #tpu.memory_space<hbm>>
      %dma_start3A_22 = arith.constant 0 : i32
      %dma_start3A_23 = tpu.memref_slice %arg3[%mul3A_4, %dma_start3A_22] : memref<3328x128xi32, #tpu.memory_space<hbm>> -> memref<104x128xi32, #tpu.memory_space<hbm>>
      tpu.enqueue_dma source(%dma_start3A_23 : memref<104x128xi32, #tpu.memory_space<hbm>>) target(%arg5 : memref<104x128xi32, #tpu.memory_space<vmem>>) target_semaphore(%run_scoped3A : memref<!tpu.dma_semaphore, #tpu.memory_space<semaphore_mem>>)
      %dma_wait3A = arith.constant 0 : i32
      %dma_wait3A_24 = tpu.memref_slice %arg3[%mul3A_4, %dma_wait3A] : memref<3328x128xi32, #tpu.memory_space<hbm>> -> memref<104x128xi32, #tpu.memory_space<hbm>>
      %dma_wait3A_25 = arith.constant 0 : i32
      %dma_wait3A_26 = tpu.memref_slice %arg3[%mul3A_4, %dma_wait3A_25] : memref<3328x128xi32, #tpu.memory_space<hbm>> -> memref<104x128xi32, #tpu.memory_space<hbm>>
      tpu.wait_dma2 semaphore(%run_scoped3A : memref<!tpu.dma_semaphore, #tpu.memory_space<semaphore_mem>>) src(%dma_wait3A_26 : memref<104x128xi32, #tpu.memory_space<hbm>>) dst(%arg5 : memref<104x128xi32, #tpu.memory_space<vmem>>)
      tpu.yield
    }) : () -> ()
    %iota3A = tpu.iota {dimensions = array<i32: 0>} : vector<16xi32>
    %scan3A = arith.constant 0 : i32
    %scan3A_5 = arith.constant 104 : i32
    %scan3A_6 = arith.addi %scan3A, %scan3A_5 : i32
    %scan3A_7 = arith.constant 1 : i32
    scf.for %scan3A_20 = %scan3A to %scan3A_6 step %scan3A_7  : i32 {
      %mul3A_21 = arith.constant 1 : i32
      %mul3A_22 = arith.muli %scan3A_20, %mul3A_21 : i32
      %add3A_23 = arith.constant 0 : i32
      %add3A_24 = arith.addi %add3A_23, %mul3A_22 : i32
      %mul3A_25 = arith.constant 128 : i32
      %mul3A_26 = arith.muli %add3A_24, %mul3A_25 : i32
      %add3A_27 = arith.addi %mul3A_2, %mul3A_26 : i32
      %add3A_28 = arith.constant 0 : i32
      %add3A_29 = arith.addi %add3A_27, %add3A_28 : i32
      %add3A_30 = vector.broadcast %add3A_29 : i32 to vector<16xi32>
      %add3A_31 = arith.addi %add3A_30, %iota3A : vector<16xi32>
      %rem3A = arith.constant 26 : i32
      %rem3A_32 = vector.broadcast %rem3A : i32 to vector<16xi32>
      %rem3A_33 = arith.remsi %add3A_31, %rem3A_32 : vector<16xi32>
      %mul3A_34 = arith.constant 100000 : i32
      %mul3A_35 = vector.broadcast %mul3A_34 : i32 to vector<16xi32>
      %mul3A_36 = arith.muli %rem3A_33, %mul3A_35 : vector<16xi32>
      %get3A = arith.index_cast %add3A_24 : i32 to index
      %get3A_37 = arith.constant 0 : index
      %get3A_38 = tpu.vector_load %arg5[%get3A, %get3A_37] {strides = array<i32>} : memref<104x128xi32, #tpu.memory_space<vmem>>, vector<1x16xi32>,
      %get3A_39 = vector.shape_cast %get3A_38 : vector<1x16xi32> to vector<16xi32>
      %add3A_40 = arith.addi %get3A_39, %mul3A_36 : vector<16xi32>
      %swap3A = arith.index_cast %add3A_24 : i32 to index
      %swap3A_41 = arith.constant 0 : index
      %swap3A_42 = tpu.vector_load %arg5[%swap3A, %swap3A_41] {strides = array<i32>} : memref<104x128xi32, #tpu.memory_space<vmem>>, vector<1x16xi32>,
      %swap3A_43 = vector.shape_cast %swap3A_42 : vector<1x16xi32> to vector<16xi32>
      %swap3A_44 = vector.shape_cast %add3A_40 : vector<16xi32> to vector<1x16xi32>
      tpu.vector_store %arg5[%swap3A, %swap3A_41], %swap3A_44 {strides = array<i32>} : memref<104x128xi32, #tpu.memory_space<vmem>>, vector<1x16xi32>,
      %add3A_45 = arith.constant 16 : i32
      %add3A_46 = arith.addi %add3A_27, %add3A_45 : i32
      %add3A_47 = vector.broadcast %add3A_46 : i32 to vector<16xi32>
      %add3A_48 = arith.addi %add3A_47, %iota3A : vector<16xi32>
      %rem3A_49 = arith.constant 26 : i32
      %rem3A_50 = vector.broadcast %rem3A_49 : i32 to vector<16xi32>
      %rem3A_51 = arith.remsi %add3A_48, %rem3A_50 : vector<16xi32>
      %mul3A_52 = arith.constant 100000 : i32
      %mul3A_53 = vector.broadcast %mul3A_52 : i32 to vector<16xi32>
      %mul3A_54 = arith.muli %rem3A_51, %mul3A_53 : vector<16xi32>
      %get3A_55 = arith.index_cast %add3A_24 : i32 to index
      %get3A_56 = arith.constant 16 : index
      %get3A_57 = tpu.vector_load %arg5[%get3A_55, %get3A_56] {strides = array<i32>} : memref<104x128xi32, #tpu.memory_space<vmem>>, vector<1x16xi32>,
      %get3A_58 = vector.shape_cast %get3A_57 : vector<1x16xi32> to vector<16xi32>
      %add3A_59 = arith.addi %get3A_58, %mul3A_54 : vector<16xi32>
      %swap3A_60 = arith.index_cast %add3A_24 : i32 to index
      %swap3A_61 = arith.constant 16 : index
      %swap3A_62 = tpu.vector_load %arg5[%swap3A_60, %swap3A_61] {strides = array<i32>} : memref<104x128xi32, #tpu.memory_space<vmem>>, vector<1x16xi32>,
      %swap3A_63 = vector.shape_cast %swap3A_62 : vector<1x16xi32> to vector<16xi32>
      %swap3A_64 = vector.shape_cast %add3A_59 : vector<16xi32> to vector<1x16xi32>
      tpu.vector_store %arg5[%swap3A_60, %swap3A_61], %swap3A_64 {strides = array<i32>} : memref<104x128xi32, #tpu.memory_space<vmem>>, vector<1x16xi32>,
      %add3A_65 = arith.constant 32 : i32
      %add3A_66 = arith.addi %add3A_27, %add3A_65 : i32
      %add3A_67 = vector.broadcast %add3A_66 : i32 to vector<16xi32>
      %add3A_68 = arith.addi %add3A_67, %iota3A : vector<16xi32>
      %rem3A_69 = arith.constant 26 : i32
      %rem3A_70 = vector.broadcast %rem3A_69 : i32 to vector<16xi32>
      %rem3A_71 = arith.remsi %add3A_68, %rem3A_70 : vector<16xi32>
      %mul3A_72 = arith.constant 100000 : i32
      %mul3A_73 = vector.broadcast %mul3A_72 : i32 to vector<16xi32>
      %mul3A_74 = arith.muli %rem3A_71, %mul3A_73 : vector<16xi32>
      %get3A_75 = arith.index_cast %add3A_24 : i32 to index
      %get3A_76 = arith.constant 32 : index
      %get3A_77 = tpu.vector_load %arg5[%get3A_75, %get3A_76] {strides = array<i32>} : memref<104x128xi32, #tpu.memory_space<vmem>>, vector<1x16xi32>,
      %get3A_78 = vector.shape_cast %get3A_77 : vector<1x16xi32> to vector<16xi32>
      %add3A_79 = arith.addi %get3A_78, %mul3A_74 : vector<16xi32>
      %swap3A_80 = arith.index_cast %add3A_24 : i32 to index
      %swap3A_81 = arith.constant 32 : index
      %swap3A_82 = tpu.vector_load %arg5[%swap3A_80, %swap3A_81] {strides = array<i32>} : memref<104x128xi32, #tpu.memory_space<vmem>>, vector<1x16xi32>,
      %swap3A_83 = vector.shape_cast %swap3A_82 : vector<1x16xi32> to vector<16xi32>
      %swap3A_84 = vector.shape_cast %add3A_79 : vector<16xi32> to vector<1x16xi32>
      tpu.vector_store %arg5[%swap3A_80, %swap3A_81], %swap3A_84 {strides = array<i32>} : memref<104x128xi32, #tpu.memory_space<vmem>>, vector<1x16xi32>,
      %add3A_85 = arith.constant 48 : i32
      %add3A_86 = arith.addi %add3A_27, %add3A_85 : i32
      %add3A_87 = vector.broadcast %add3A_86 : i32 to vector<16xi32>
      %add3A_88 = arith.addi %add3A_87, %iota3A : vector<16xi32>
      %rem3A_89 = arith.constant 26 : i32
      %rem3A_90 = vector.broadcast %rem3A_89 : i32 to vector<16xi32>
      %rem3A_91 = arith.remsi %add3A_88, %rem3A_90 : vector<16xi32>
      %mul3A_92 = arith.constant 100000 : i32
      %mul3A_93 = vector.broadcast %mul3A_92 : i32 to vector<16xi32>
      %mul3A_94 = arith.muli %rem3A_91, %mul3A_93 : vector<16xi32>
      %get3A_95 = arith.index_cast %add3A_24 : i32 to index
      %get3A_96 = arith.constant 48 : index
      %get3A_97 = tpu.vector_load %arg5[%get3A_95, %get3A_96] {strides = array<i32>} : memref<104x128xi32, #tpu.memory_space<vmem>>, vector<1x16xi32>,
      %get3A_98 = vector.shape_cast %get3A_97 : vector<1x16xi32> to vector<16xi32>
      %add3A_99 = arith.addi %get3A_98, %mul3A_94 : vector<16xi32>
      %swap3A_100 = arith.index_cast %add3A_24 : i32 to index
      %swap3A_101 = arith.constant 48 : index
      %swap3A_102 = tpu.vector_load %arg5[%swap3A_100, %swap3A_101] {strides = array<i32>} : memref<104x128xi32, #tpu.memory_space<vmem>>, vector<1x16xi32>,
      %swap3A_103 = vector.shape_cast %swap3A_102 : vector<1x16xi32> to vector<16xi32>
      %swap3A_104 = vector.shape_cast %add3A_99 : vector<16xi32> to vector<1x16xi32>
      tpu.vector_store %arg5[%swap3A_100, %swap3A_101], %swap3A_104 {strides = array<i32>} : memref<104x128xi32, #tpu.memory_space<vmem>>, vector<1x16xi32>,
      %add3A_105 = arith.constant 64 : i32
      %add3A_106 = arith.addi %add3A_27, %add3A_105 : i32
      %add3A_107 = vector.broadcast %add3A_106 : i32 to vector<16xi32>
      %add3A_108 = arith.addi %add3A_107, %iota3A : vector<16xi32>
      %rem3A_109 = arith.constant 26 : i32
      %rem3A_110 = vector.broadcast %rem3A_109 : i32 to vector<16xi32>
      %rem3A_111 = arith.remsi %add3A_108, %rem3A_110 : vector<16xi32>
      %mul3A_112 = arith.constant 100000 : i32
      %mul3A_113 = vector.broadcast %mul3A_112 : i32 to vector<16xi32>
      %mul3A_114 = arith.muli %rem3A_111, %mul3A_113 : vector<16xi32>
      %get3A_115 = arith.index_cast %add3A_24 : i32 to index
      %get3A_116 = arith.constant 64 : index
      %get3A_117 = tpu.vector_load %arg5[%get3A_115, %get3A_116] {strides = array<i32>} : memref<104x128xi32, #tpu.memory_space<vmem>>, vector<1x16xi32>,
      %get3A_118 = vector.shape_cast %get3A_117 : vector<1x16xi32> to vector<16xi32>
      %add3A_119 = arith.addi %get3A_118, %mul3A_114 : vector<16xi32>
      %swap3A_120 = arith.index_cast %add3A_24 : i32 to index
      %swap3A_121 = arith.constant 64 : index
      %swap3A_122 = tpu.vector_load %arg5[%swap3A_120, %swap3A_121] {strides = array<i32>} : memref<104x128xi32, #tpu.memory_space<vmem>>, vector<1x16xi32>,
      %swap3A_123 = vector.shape_cast %swap3A_122 : vector<1x16xi32> to vector<16xi32>
      %swap3A_124 = vector.shape_cast %add3A_119 : vector<16xi32> to vector<1x16xi32>
      tpu.vector_store %arg5[%swap3A_120, %swap3A_121], %swap3A_124 {strides = array<i32>} : memref<104x128xi32, #tpu.memory_space<vmem>>, vector<1x16xi32>,
      %add3A_125 = arith.constant 80 : i32
      %add3A_126 = arith.addi %add3A_27, %add3A_125 : i32
      %add3A_127 = vector.broadcast %add3A_126 : i32 to vector<16xi32>
      %add3A_128 = arith.addi %add3A_127, %iota3A : vector<16xi32>
      %rem3A_129 = arith.constant 26 : i32
      %rem3A_130 = vector.broadcast %rem3A_129 : i32 to vector<16xi32>
      %rem3A_131 = arith.remsi %add3A_128, %rem3A_130 : vector<16xi32>
      %mul3A_132 = arith.constant 100000 : i32
      %mul3A_133 = vector.broadcast %mul3A_132 : i32 to vector<16xi32>
      %mul3A_134 = arith.muli %rem3A_131, %mul3A_133 : vector<16xi32>
      %get3A_135 = arith.index_cast %add3A_24 : i32 to index
      %get3A_136 = arith.constant 80 : index
      %get3A_137 = tpu.vector_load %arg5[%get3A_135, %get3A_136] {strides = array<i32>} : memref<104x128xi32, #tpu.memory_space<vmem>>, vector<1x16xi32>,
      %get3A_138 = vector.shape_cast %get3A_137 : vector<1x16xi32> to vector<16xi32>
      %add3A_139 = arith.addi %get3A_138, %mul3A_134 : vector<16xi32>
      %swap3A_140 = arith.index_cast %add3A_24 : i32 to index
      %swap3A_141 = arith.constant 80 : index
      %swap3A_142 = tpu.vector_load %arg5[%swap3A_140, %swap3A_141] {strides = array<i32>} : memref<104x128xi32, #tpu.memory_space<vmem>>, vector<1x16xi32>,
      %swap3A_143 = vector.shape_cast %swap3A_142 : vector<1x16xi32> to vector<16xi32>
      %swap3A_144 = vector.shape_cast %add3A_139 : vector<16xi32> to vector<1x16xi32>
      tpu.vector_store %arg5[%swap3A_140, %swap3A_141], %swap3A_144 {strides = array<i32>} : memref<104x128xi32, #tpu.memory_space<vmem>>, vector<1x16xi32>,
      %add3A_145 = arith.constant 96 : i32
      %add3A_146 = arith.addi %add3A_27, %add3A_145 : i32
      %add3A_147 = vector.broadcast %add3A_146 : i32 to vector<16xi32>
      %add3A_148 = arith.addi %add3A_147, %iota3A : vector<16xi32>
      %rem3A_149 = arith.constant 26 : i32
      %rem3A_150 = vector.broadcast %rem3A_149 : i32 to vector<16xi32>
      %rem3A_151 = arith.remsi %add3A_148, %rem3A_150 : vector<16xi32>
      %mul3A_152 = arith.constant 100000 : i32
      %mul3A_153 = vector.broadcast %mul3A_152 : i32 to vector<16xi32>
      %mul3A_154 = arith.muli %rem3A_151, %mul3A_153 : vector<16xi32>
      %get3A_155 = arith.index_cast %add3A_24 : i32 to index
      %get3A_156 = arith.constant 96 : index
      %get3A_157 = tpu.vector_load %arg5[%get3A_155, %get3A_156] {strides = array<i32>} : memref<104x128xi32, #tpu.memory_space<vmem>>, vector<1x16xi32>,
      %get3A_158 = vector.shape_cast %get3A_157 : vector<1x16xi32> to vector<16xi32>
      %add3A_159 = arith.addi %get3A_158, %mul3A_154 : vector<16xi32>
      %swap3A_160 = arith.index_cast %add3A_24 : i32 to index
      %swap3A_161 = arith.constant 96 : index
      %swap3A_162 = tpu.vector_load %arg5[%swap3A_160, %swap3A_161] {strides = array<i32>} : memref<104x128xi32, #tpu.memory_space<vmem>>, vector<1x16xi32>,
      %swap3A_163 = vector.shape_cast %swap3A_162 : vector<1x16xi32> to vector<16xi32>
      %swap3A_164 = vector.shape_cast %add3A_159 : vector<16xi32> to vector<1x16xi32>
      tpu.vector_store %arg5[%swap3A_160, %swap3A_161], %swap3A_164 {strides = array<i32>} : memref<104x128xi32, #tpu.memory_space<vmem>>, vector<1x16xi32>,
      %add3A_165 = arith.constant 112 : i32
      %add3A_166 = arith.addi %add3A_27, %add3A_165 : i32
      %add3A_167 = vector.broadcast %add3A_166 : i32 to vector<16xi32>
      %add3A_168 = arith.addi %add3A_167, %iota3A : vector<16xi32>
      %rem3A_169 = arith.constant 26 : i32
      %rem3A_170 = vector.broadcast %rem3A_169 : i32 to vector<16xi32>
      %rem3A_171 = arith.remsi %add3A_168, %rem3A_170 : vector<16xi32>
      %mul3A_172 = arith.constant 100000 : i32
      %mul3A_173 = vector.broadcast %mul3A_172 : i32 to vector<16xi32>
      %mul3A_174 = arith.muli %rem3A_171, %mul3A_173 : vector<16xi32>
      %get3A_175 = arith.index_cast %add3A_24 : i32 to index
      %get3A_176 = arith.constant 112 : index
      %get3A_177 = tpu.vector_load %arg5[%get3A_175, %get3A_176] {strides = array<i32>} : memref<104x128xi32, #tpu.memory_space<vmem>>, vector<1x16xi32>,
      %get3A_178 = vector.shape_cast %get3A_177 : vector<1x16xi32> to vector<16xi32>
      %add3A_179 = arith.addi %get3A_178, %mul3A_174 : vector<16xi32>
      %swap3A_180 = arith.index_cast %add3A_24 : i32 to index
      %swap3A_181 = arith.constant 112 : index
      %swap3A_182 = tpu.vector_load %arg5[%swap3A_180, %swap3A_181] {strides = array<i32>} : memref<104x128xi32, #tpu.memory_space<vmem>>, vector<1x16xi32>,
      %swap3A_183 = vector.shape_cast %swap3A_182 : vector<1x16xi32> to vector<16xi32>
      %swap3A_184 = vector.shape_cast %add3A_179 : vector<16xi32> to vector<1x16xi32>
      tpu.vector_store %arg5[%swap3A_180, %swap3A_181], %swap3A_184 {strides = array<i32>} : memref<104x128xi32, #tpu.memory_space<vmem>>, vector<1x16xi32>,
    }
    %scan3A_8 = arith.constant 104 : i32
    %dma_start3A = arith.constant 0 : i32
    %dma_start3A_9 = arith.constant 0 : i32
    %dma_start3A_10 = tpu.memref_slice %arg5[%dma_start3A, %dma_start3A_9] : memref<104x128xi32, #tpu.memory_space<vmem>> -> memref<1x128xi32, #tpu.memory_space<vmem>>
    %dma_start3A_11 = tpu.memref_squeeze %dma_start3A_10 : memref<1x128xi32, #tpu.memory_space<vmem>> -> memref<128xi32, #tpu.memory_space<vmem>>
    %dma_start3A_12 = arith.constant 0 : i32
    %dma_start3A_13 = arith.constant 0 : i32
    %dma_start3A_14 = tpu.memref_slice %arg2[%dma_start3A_12, %dma_start3A_13] : memref<2600000x16xf32, #tpu.memory_space<hbm>> -> memref<2600000x16xf32, #tpu.memory_space<hbm>>
    tpu.enqueue_indirect_dma source(%dma_start3A_14 : memref<2600000x16xf32, #tpu.memory_space<hbm>>) target(%arg6 : memref<128x16xf32, #tpu.memory_space<vmem>>) offsets(%dma_start3A_11 : memref<128xi32, #tpu.memory_space<vmem>>) semaphore(%arg8 : memref<!tpu.dma_semaphore, #tpu.memory_space<semaphore_mem>>)
    %scan3A_15 = arith.constant 0 : i32
    %scan3A_16 = arith.constant 104 : i32
    %scan3A_17 = arith.addi %scan3A_15, %scan3A_16 : i32
    %scan3A_18 = arith.constant 1 : i32
    scf.for %scan3A_20 = %scan3A_15 to %scan3A_17 step %scan3A_18  : i32 {
      %mul3A_21 = arith.constant 1 : i32
      %mul3A_22 = arith.muli %scan3A_20, %mul3A_21 : i32
      %add3A_23 = arith.constant 0 : i32
      %add3A_24 = arith.addi %add3A_23, %mul3A_22 : i32
      %rem3A = arith.constant 2 : i32
      %rem3A_25 = arith.remsi %add3A_24, %rem3A : i32
      %eq3A = arith.constant 0 : i32
      %eq3A_26 = arith.cmpi eq, %rem3A_25, %eq3A : i32
      %convert_element_type3A = arith.extui %eq3A_26 : i1 to i32
      %cond3A = arith.constant 0 : i32
      %cond3A_27 = arith.cmpi ne, %convert_element_type3A, %cond3A : i32
      scf.if %cond3A_27 {
        %add3A_35 = arith.constant 1 : i32
        %add3A_36 = arith.addi %add3A_24, %add3A_35 : i32
        %lt3A = arith.constant 104 : i32
        %lt3A_37 = arith.cmpi slt, %add3A_36, %lt3A : i32
        %convert_element_type3A_38 = arith.extui %lt3A_37 : i1 to i32
        %cond3A_39 = arith.constant 0 : i32
        %cond3A_40 = arith.cmpi ne, %convert_element_type3A_38, %cond3A_39 : i32
        scf.if %cond3A_40 {
          %add3A_49 = arith.constant 1 : i32
          %add3A_50 = arith.addi %add3A_24, %add3A_49 : i32
          %dma_start3A_51 = arith.constant 0 : i32
          %dma_start3A_52 = tpu.memref_slice %arg5[%add3A_50, %dma_start3A_51] : memref<104x128xi32, #tpu.memory_space<vmem>> -> memref<1x128xi32, #tpu.memory_space<vmem>>
          %dma_start3A_53 = tpu.memref_squeeze %dma_start3A_52 : memref<1x128xi32, #tpu.memory_space<vmem>> -> memref<128xi32, #tpu.memory_space<vmem>>
          %dma_start3A_54 = arith.constant 0 : i32
          %dma_start3A_55 = arith.constant 0 : i32
          %dma_start3A_56 = tpu.memref_slice %arg2[%dma_start3A_54, %dma_start3A_55] : memref<2600000x16xf32, #tpu.memory_space<hbm>> -> memref<2600000x16xf32, #tpu.memory_space<hbm>>
          tpu.enqueue_indirect_dma source(%dma_start3A_56 : memref<2600000x16xf32, #tpu.memory_space<hbm>>) target(%arg7 : memref<128x16xf32, #tpu.memory_space<vmem>>) offsets(%dma_start3A_53 : memref<128xi32, #tpu.memory_space<vmem>>) semaphore(%arg9 : memref<!tpu.dma_semaphore, #tpu.memory_space<semaphore_mem>>)
        } else {
        }
        %dma_wait3A = arith.constant 0 : i32
        %dma_wait3A_41 = tpu.memref_slice %arg5[%add3A_24, %dma_wait3A] : memref<104x128xi32, #tpu.memory_space<vmem>> -> memref<1x128xi32, #tpu.memory_space<vmem>>
        %dma_wait3A_42 = tpu.memref_squeeze %dma_wait3A_41 : memref<1x128xi32, #tpu.memory_space<vmem>> -> memref<128xi32, #tpu.memory_space<vmem>>
        %dma_wait3A_43 = arith.constant 0 : i32
        %dma_wait3A_44 = arith.constant 0 : i32
        %dma_wait3A_45 = tpu.memref_slice %arg2[%dma_wait3A_43, %dma_wait3A_44] : memref<2600000x16xf32, #tpu.memory_space<hbm>> -> memref<2600000x16xf32, #tpu.memory_space<hbm>>
        tpu.wait_indirect_dma semaphore(%arg8 : memref<!tpu.dma_semaphore, #tpu.memory_space<semaphore_mem>>) src(%dma_wait3A_45 : memref<2600000x16xf32, #tpu.memory_space<hbm>>) dst(%arg6 : memref<128x16xf32, #tpu.memory_space<vmem>>)
        %mul3A_46 = arith.constant 128 : i32
        %mul3A_47 = arith.muli %add3A_24, %mul3A_46 : i32
        %add3A_48 = arith.addi %mul3A_2, %mul3A_47 : i32
        "tpu.region"() ({
          %run_scoped3A = tpu.sem_alloc : memref<!tpu.dma_semaphore, #tpu.memory_space<semaphore_mem>>
          %dma_start3A_49 = arith.constant 0 : i32
          %dma_start3A_50 = tpu.memref_slice %arg4[%add3A_48, %dma_start3A_49] : memref<425984x16xf32, #tpu.memory_space<hbm>> -> memref<128x16xf32, #tpu.memory_space<hbm>>
          %dma_start3A_51 = arith.constant 0 : i32
          %dma_start3A_52 = tpu.memref_slice %arg4[%add3A_48, %dma_start3A_51] : memref<425984x16xf32, #tpu.memory_space<hbm>> -> memref<128x16xf32, #tpu.memory_space<hbm>>
          tpu.enqueue_dma source(%arg6 : memref<128x16xf32, #tpu.memory_space<vmem>>) target(%dma_start3A_52 : memref<128x16xf32, #tpu.memory_space<hbm>>) target_semaphore(%run_scoped3A : memref<!tpu.dma_semaphore, #tpu.memory_space<semaphore_mem>>)
          %dma_wait3A_53 = arith.constant 0 : i32
          %dma_wait3A_54 = tpu.memref_slice %arg4[%add3A_48, %dma_wait3A_53] : memref<425984x16xf32, #tpu.memory_space<hbm>> -> memref<128x16xf32, #tpu.memory_space<hbm>>
          %dma_wait3A_55 = arith.constant 0 : i32
          %dma_wait3A_56 = tpu.memref_slice %arg4[%add3A_48, %dma_wait3A_55] : memref<425984x16xf32, #tpu.memory_space<hbm>> -> memref<128x16xf32, #tpu.memory_space<hbm>>
          tpu.wait_dma2 semaphore(%run_scoped3A : memref<!tpu.dma_semaphore, #tpu.memory_space<semaphore_mem>>) src(%arg6 : memref<128x16xf32, #tpu.memory_space<vmem>>) dst(%dma_wait3A_56 : memref<128x16xf32, #tpu.memory_space<hbm>>)
          tpu.yield
        }) : () -> ()
      } else {
      }
      %rem3A_28 = arith.constant 2 : i32
      %rem3A_29 = arith.remsi %add3A_24, %rem3A_28 : i32
      %eq3A_30 = arith.constant 1 : i32
      %eq3A_31 = arith.cmpi eq, %rem3A_29, %eq3A_30 : i32
      %convert_element_type3A_32 = arith.extui %eq3A_31 : i1 to i32
      %cond3A_33 = arith.constant 0 : i32
      %cond3A_34 = arith.cmpi ne, %convert_element_type3A_32, %cond3A_33 : i32
      scf.if %cond3A_34 {
        %add3A_35 = arith.constant 1 : i32
        %add3A_36 = arith.addi %add3A_24, %add3A_35 : i32
        %lt3A = arith.constant 104 : i32
        %lt3A_37 = arith.cmpi slt, %add3A_36, %lt3A : i32
        %convert_element_type3A_38 = arith.extui %lt3A_37 : i1 to i32
        %cond3A_39 = arith.constant 0 : i32
        %cond3A_40 = arith.cmpi ne, %convert_element_type3A_38, %cond3A_39 : i32
        scf.if %cond3A_40 {
          %add3A_49 = arith.constant 1 : i32
          %add3A_50 = arith.addi %add3A_24, %add3A_49 : i32
          %dma_start3A_51 = arith.constant 0 : i32
          %dma_start3A_52 = tpu.memref_slice %arg5[%add3A_50, %dma_start3A_51] : memref<104x128xi32, #tpu.memory_space<vmem>> -> memref<1x128xi32, #tpu.memory_space<vmem>>
          %dma_start3A_53 = tpu.memref_squeeze %dma_start3A_52 : memref<1x128xi32, #tpu.memory_space<vmem>> -> memref<128xi32, #tpu.memory_space<vmem>>
          %dma_start3A_54 = arith.constant 0 : i32
          %dma_start3A_55 = arith.constant 0 : i32
          %dma_start3A_56 = tpu.memref_slice %arg2[%dma_start3A_54, %dma_start3A_55] : memref<2600000x16xf32, #tpu.memory_space<hbm>> -> memref<2600000x16xf32, #tpu.memory_space<hbm>>
          tpu.enqueue_indirect_dma source(%dma_start3A_56 : memref<2600000x16xf32, #tpu.memory_space<hbm>>) target(%arg6 : memref<128x16xf32, #tpu.memory_space<vmem>>) offsets(%dma_start3A_53 : memref<128xi32, #tpu.memory_space<vmem>>) semaphore(%arg8 : memref<!tpu.dma_semaphore, #tpu.memory_space<semaphore_mem>>)
        } else {
        }
        %dma_wait3A = arith.constant 0 : i32
        %dma_wait3A_41 = tpu.memref_slice %arg5[%add3A_24, %dma_wait3A] : memref<104x128xi32, #tpu.memory_space<vmem>> -> memref<1x128xi32, #tpu.memory_space<vmem>>
        %dma_wait3A_42 = tpu.memref_squeeze %dma_wait3A_41 : memref<1x128xi32, #tpu.memory_space<vmem>> -> memref<128xi32, #tpu.memory_space<vmem>>
        %dma_wait3A_43 = arith.constant 0 : i32
        %dma_wait3A_44 = arith.constant 0 : i32
        %dma_wait3A_45 = tpu.memref_slice %arg2[%dma_wait3A_43, %dma_wait3A_44] : memref<2600000x16xf32, #tpu.memory_space<hbm>> -> memref<2600000x16xf32, #tpu.memory_space<hbm>>
        tpu.wait_indirect_dma semaphore(%arg9 : memref<!tpu.dma_semaphore, #tpu.memory_space<semaphore_mem>>) src(%dma_wait3A_45 : memref<2600000x16xf32, #tpu.memory_space<hbm>>) dst(%arg7 : memref<128x16xf32, #tpu.memory_space<vmem>>)
        %mul3A_46 = arith.constant 128 : i32
        %mul3A_47 = arith.muli %add3A_24, %mul3A_46 : i32
        %add3A_48 = arith.addi %mul3A_2, %mul3A_47 : i32
        "tpu.region"() ({
          %run_scoped3A = tpu.sem_alloc : memref<!tpu.dma_semaphore, #tpu.memory_space<semaphore_mem>>
          %dma_start3A_49 = arith.constant 0 : i32
          %dma_start3A_50 = tpu.memref_slice %arg4[%add3A_48, %dma_start3A_49] : memref<425984x16xf32, #tpu.memory_space<hbm>> -> memref<128x16xf32, #tpu.memory_space<hbm>>
          %dma_start3A_51 = arith.constant 0 : i32
          %dma_start3A_52 = tpu.memref_slice %arg4[%add3A_48, %dma_start3A_51] : memref<425984x16xf32, #tpu.memory_space<hbm>> -> memref<128x16xf32, #tpu.memory_space<hbm>>
          tpu.enqueue_dma source(%arg7 : memref<128x16xf32, #tpu.memory_space<vmem>>) target(%dma_start3A_52 : memref<128x16xf32, #tpu.memory_space<hbm>>) target_semaphore(%run_scoped3A : memref<!tpu.dma_semaphore, #tpu.memory_space<semaphore_mem>>)
          %dma_wait3A_53 = arith.constant 0 : i32
          %dma_wait3A_54 = tpu.memref_slice %arg4[%add3A_48, %dma_wait3A_53] : memref<425984x16xf32, #tpu.memory_space<hbm>> -> memref<128x16xf32, #tpu.memory_space<hbm>>
          %dma_wait3A_55 = arith.constant 0 : i32
          %dma_wait3A_56 = tpu.memref_slice %arg4[%add3A_48, %dma_wait3A_55] : memref<425984x16xf32, #tpu.memory_space<hbm>> -> memref<128x16xf32, #tpu.memory_space<hbm>>
          tpu.wait_dma2 semaphore(%run_scoped3A : memref<!tpu.dma_semaphore, #tpu.memory_space<semaphore_mem>>) src(%arg7 : memref<128x16xf32, #tpu.memory_space<vmem>>) dst(%dma_wait3A_56 : memref<128x16xf32, #tpu.memory_space<hbm>>)
          tpu.yield
        }) : () -> ()
      } else {
      }
    }
    %scan3A_19 = arith.constant 104 : i32
    return
  }
}

</mosaic_0001>

<sc_bundles>
// kernel: kernel.3.cloned.1.call-start
scs
__scs_entry_jumppad:
0x0: {  	(pc) =	sbr.rel $0x88, $3  }
0x1: {  	(tag) =	ssettag $0x0;
	lr =	simm.s32 $0x1  }
0x2: {  	[smem:$0x3F9F] =	sst lr;
	_ =	strace $0xD0000000  }
0x3: {  	_ = 	snop  }
0x4: {  	_ = 	snop  }
0x5: {  	_ = 	snop  }
0x6: {  	_ = 	snop  }
0x7: {  	_ = 	snop  }
__scs_overlays_trampoline_lowered:
0x8: {  	[smem:$0x3FAE] =	sst s0  }
0x9: {  	[smem:$0x3FAF] =	sst s1  }
0xa: {  	[smem:$0x3FB0] =	sst s2  }
0xb: {  	[smem:$0x3FB1] =	sst s3  }
0xc: {  	[smem:$0x3FB2] =	sst s4  }
0xd: {  	[smem:$0x3FB3] =	sst s5  }
0xe: {  	[smem:$0x3FB4] =	sst s6  }
0xf: {  	[smem:$0x3FB5] =	sst s7  }
0x10: {  	[smem:$0x3FB6] =	sst s8  }
0x11: {  	[smem:$0x3FB7] =	sst s9;
	s0 =	simm.s32 @!p0 $0x0  }
0x12: {  	s1 =	sld [smem:$0x3F9D];
	s0 =	simm.s32 @p0 $0x1  }
0x13: {  	[smem:$0x3FB8] =	sst s0;
	s0 =	simm.s32 @!p1 $0x0  }
0x14: {  	s2 =	sld [smem:$0x3F9C];
	s0 =	simm.s32 @p1 $0x1  }
0x15: {  	[smem:$0x3FB9] =	sst s0;
	s0 =	simm.s32 @!p2 $0x0  }
0x16: {  	s3 =	sld [smem:$0x3FDB];
	s0 =	simm.s32 @p2 $0x1  }
0x17: {  	s4 =	simm.s32 $0x1BF5;
	[smem:$0x3FBB] =	sst s0  }
0x18: {  	s0 =	sld [smem:$0x3F9E];
	_ =	swait.ge [sflag:s4], $0x0  }
0x19: {  	s7 =	sld [smem:$0x3F9F]  }
0x1a: {  	s8 =	sadd.s32 $0xFFFFE003, lr  }
0x1b: {  	s9 =	sadd.s32 $0xFFFFFEF7, lr;
	s5 =	simm.s32 $0xFFFFFFFF;
	p2 =	slt.u32 s8, $0xFFFFF086  }
0x1c: {  	p1 =	slt.u32 s9, $0xF7A;
	s5 =	simm.s32 @!p2 $0x0  }
0x1d: {  	s5 =	simm.s32 @p1 $0x1;
	p0 =	seq.s32 s7, s2  }
0x1e: {  	s7 =	smul.u32 @!p0 $0xF7A, s2;
	p2 =	seq.s32 @!p0 s5, $0x0  }
0x1f: {  	s9 =	smul.u32 $0xF7A, s1;
	s8 =	simm.s32 @!p0 $0x1BF5;
	p2 =	por !p2, p0  }
0x20: {  	[sflag:s8] =	ssyncset.s32 @!p0 $0xFFFFF086;
	s6 =	sadd.s32 @!p0 s3, s7;
	s7 =	simm.s32 @!p0 $0x108  }
0x21: {  	s3 =	sadd.s32 s3, s9;
	s6 =	sadd.s32 @!p0 $0x88, s6;
	s7 =	simm.s32 @p2 $0x1082  }
0x22: {  	[simem:s7], [sflag:s8] =	dma.local @!p0 [hbm:s6], $0xF7A  }
0x23: {  	s9 =	sor.u32 $0xD0000000, s2;
	s6 =	simm.s32 $0x108;
	_ =	swait.ge @!p0 [sflag:s8], $0x0  }
0x24: {  	s3 =	sadd.s32 $0x88, s3;
	s6 =	simm.s32 @!p1 $0x1082;
	[sflag:s4] =	ssyncset.s32 $0xFFFFF086  }
0x25: {  	[simem:s6], [sflag:s4] =	dma.local [hbm:s3], $0xF7A  }
0x26: {  	[smem:$0x3F9F] =	sst s1;
	(tag) =	ssettag s2;
	_ =	strace s9  }
0x27: {  	s1 =	sld [smem:$0x3FAF]  }
0x28: {  	s2 =	sld [smem:$0x3FB0]  }
0x29: {  	s4 =	sld [smem:$0x3FB2]  }
0x2a: {  	p0 =	seq.s32 s5, $0x0;
	s5 =	sld [smem:$0x3FB3]  }
0x2b: {  	s6 =	sld [smem:$0x3FB4]  }
0x2c: {  	s7 =	sld [smem:$0x3FB5]  }
0x2d: {  	s3 =	simm.s32 $0x108;
	s8 =	sld [smem:$0x3FB6]  }
0x2e: {  	s3 =	simm.s32 @!p0 $0x1082;
	s9 =	sld [smem:$0x3FB7]  }
0x2f: {  	lr =	sadd.s32 s0, s3;
	s0 =	sld [smem:$0x3FAE]  }
0x30: {  	s3 =	sld [smem:$0x3FB1]  }
0x31: {  	[smem:$0x3FBA] =	sst s10  }
0x32: {  	s10 =	sld [smem:$0x3FB8];
	_ =	sdelay $0x3  }
0x33: {  	p0 =	seq.s32 s10, $0x1;
	s10 =	sld [smem:$0x3FBA];
	_ =	sdelay $0x3  }
0x34: {  	[smem:$0x3FBA] =	sst s10  }
0x35: {  	s10 =	sld [smem:$0x3FB9];
	_ =	sdelay $0x3  }
0x36: {  	p1 =	seq.s32 s10, $0x1;
	s10 =	sld [smem:$0x3FBA];
	_ =	sdelay $0x3  }
0x37: {  	[smem:$0x3FBA] =	sst s10  }
0x38: {  	s10 =	sld [smem:$0x3FBB]  }
0x39: {  	_ = 	snop;
	(pc) =	sbr.ind lr, $3  }
0x3a: {  	_ = 	snop  }
0x3b: {  	_ = 	snop  }
0x3c: {  	p2 =	seq.s32 s10, $0x1;
	s10 =	sld [smem:$0x3FBA]  }
0x3d: {  	_ =	shalt  }
0x3e: {  	_ =	shalt  }
0x3f: {  	_ =	shalt  }
0x40: {  	_ =	shalt  }
0x41: {  	_ =	shalt  }
0x42: {  	_ =	shalt  }
0x43: {  	_ =	shalt  }
0x44: {  	_ =	shalt  }
0x45: {  	_ =	shalt  }
0x46: {  	_ =	shalt  }
0x47: {  	_ =	shalt  }
0x48: {  	_ =	shalt  }
0x49: {  	_ =	shalt  }
0x4a: {  	_ =	shalt  }
0x4b: {  	_ =	shalt  }
0x4c: {  	_ =	shalt  }
0x4d: {  	_ =	shalt  }
0x4e: {  	_ =	shalt  }
0x4f: {  	_ =	shalt  }
0x50: {  	_ =	shalt  }
0x51: {  	_ =	shalt  }
0x52: {  	_ =	shalt  }
0x53: {  	_ =	shalt  }
0x54: {  	_ =	shalt  }
0x55: {  	_ =	shalt  }
0x56: {  	_ =	shalt  }
0x57: {  	_ =	shalt  }
0x58: {  	_ =	shalt  }
0x59: {  	_ =	shalt  }
0x5a: {  	_ =	shalt  }
0x5b: {  	_ =	shalt  }
0x5c: {  	_ =	shalt  }
0x5d: {  	_ =	shalt  }
0x5e: {  	_ =	shalt  }
0x5f: {  	_ =	shalt  }
0x60: {  	_ =	shalt  }
0x61: {  	_ =	shalt  }
0x62: {  	_ =	shalt  }
0x63: {  	_ =	shalt  }
0x64: {  	_ =	shalt  }
0x65: {  	_ =	shalt  }
0x66: {  	_ =	shalt  }
0x67: {  	_ =	shalt  }
0x68: {  	_ =	shalt  }
0x69: {  	_ =	shalt  }
0x6a: {  	_ =	shalt  }
0x6b: {  	_ =	shalt  }
0x6c: {  	_ =	shalt  }
0x6d: {  	_ =	shalt  }
0x6e: {  	_ =	shalt  }
0x6f: {  	_ =	shalt  }
0x70: {  	_ =	shalt  }
0x71: {  	_ =	shalt  }
0x72: {  	_ =	shalt  }
0x73: {  	_ =	shalt  }
0x74: {  	_ =	shalt  }
0x75: {  	_ =	shalt  }
0x76: {  	_ =	shalt  }
0x77: {  	_ =	shalt  }
0x78: {  	_ =	shalt  }
0x79: {  	_ =	shalt  }
0x7a: {  	_ =	shalt  }
0x7b: {  	_ =	shalt  }
0x7c: {  	_ =	shalt  }
0x7d: {  	_ =	shalt  }
0x7e: {  	_ =	shalt  }
0x7f: {  	_ =	shalt  }
0x80: {  	_ =	shalt  }
0x81: {  	_ =	shalt  }
0x82: {  	_ =	shalt  }
0x83: {  	_ =	shalt  }
0x84: {  	_ =	shalt  }
0x85: {  	_ =	shalt  }
0x86: {  	_ =	shalt  }
0x87: {  	_ =	shalt  }
.Lfunc_end0:
.L_simem_size_0:
called_computation_lowered:
.L_overlay_start_0:
0x88: {  	s2 =	sld [smem:$0x3FD9]  }
0x89: {  	s3 =	sld [smem:$0x3FFE];
	_ =	sdelay $0x1  }
0x8a: {  	s1 =	srdreg.scid  }
0x8b: {  	s0 =	sand.u32 $0x1, s1  }
0x8c: {  	s17 =	sshll.u32 s0, $0xA;
	s2 =	sadd.s32 s3, s2  }
0x8d: {  	s2 =	sadd.s32 s2, s17  }
0x8e: {  	[smem:$0x3FC6] =	sst s2  }
0x8f: {  	_ = 	snop  }
0x90: {  	s2 =	sld [smem:$0x3FD0];
	(tm) =	ssettm $0x1  }
0x91: {  	s18 =	sld [smem:$0x3FFB];
	_ =	sdelay $0x3  }
0x92: {  	_ =	strace s18  }
0x93: {  	s3 =	sld [smem:$0x3FFC];
	_ =	sdelay $0x3  }
0x94: {  	_ =	strace s3  }
0x95: {  	s3 =	sld [smem:$0x3FFD];
	_ =	sdelay $0x3  }
0x96: {  	_ =	strace s3  }
0x97: {  	_ =	strace $0x8FFFFFFF  }
0x98: {  	s19 =	sld [smem:$0x3FDB];
	_ =	sdelay $0x1  }
0x99: {  	s4 =	simm.s32 $_scs_section_size  }
0x9a: {  	s5 =	simm.s32 $_size__tile_overlayer_lowered;
	s6 =	simm.s32 $_tile_overlayer_lowered  }
0x9b: {  	s22 =	simm.s32 $0x1BFF;
	s21 =	sshll.u32 s6, $0x1;
	s3 =	sadd.s32 s4, s19  }
0x9c: {  	s7 =	simm.s32 $0x0;
	s20 =	sshll.u32 s5, $0x1;
	s5 =	sadd.s32 s21, s3  }
0x9d: {  	[timem:s7], [sflag:s22] =	dma.local [hbm:s5], s20  }
0x9e: {  	_ =	swait.ge [sflag:s22], s20  }
0x9f: {  	s4 =	ssub.s32 $0x0, s20;
	[sflag:s22] =	ssyncset.done $0x0  }
0xa0: {  	[sflag:s22] =	ssyncadd.s32 s4;
	_ =	sdelay $0x1  }
0xa1: {  	s23 =	simm.s32 $0x1B8B  }
0xa2: {  	_ =	swait.ge [sflag:s23], $0x1  }
0xa3: {  	[sflag:s23] =	ssyncset.done $0x0  }
0xa4: {  	s25 =	simm.s32 $0x1B8E;
	s24 =	sld [smem:$0x3FFE];
	[sflag:s23] =	ssyncadd.s32 $0xFFFFFFFF  }
0xa5: {  	s26 =	simm.s32 $execute0_lowered;
	[smem:$0x3FD2] =	sst s25  }
0xa6: {  	s5 =	sshll.u32 s26, $0x1;
	_ =	strace $0x80000046;
	[dreg:$0x1] =	wrdreg $0xFFFFFFFF  }
0xa7: {  	s28 =	simm.s32 $_size_execute0_lowered;
	s3 =	sadd.s32 s3, s5;
	[dreg:$0x0] =	wrdreg $0x0  }
0xa8: {  	s5 =	sshll.u32 s28, $0x1;
	[dreg:$0x2] =	wrdreg s3  }
0xa9: {  	[dreg:$0x3] =	wrdreg s5  }
0xaa: {  	[dreg:$0x4] =	wrdreg $0xC0  }
0xab: {  	_ =	task [dreg:s7], $0x5FFFF  }
0xac: {  	[dreg:$0x1] =	wrdreg $0xFFFFFFFF  }
0xad: {  	[dreg:$0x0] =	wrdreg $0x60  }
0xae: {  	[dreg:$0x2] =	wrdreg s24  }
0xaf: {  	[dreg:$0x3] =	wrdreg s2  }
0xb0: {  	[dreg:$0x4] =	wrdreg $0x9  }
0xb1: {  	_ =	task.clear_ibuf [dreg:s7], $0x5FFFF;
	_ =	strace $0x90000046  }
0xb2: {  	s29 =	simm.s32 $0x9;
	_ =	strace $0x80000048  }
0xb3: {  	_ =	swait.ge [sflag:s29], $0x1  }
0xb4: {  	[sflag:s29] =	ssyncadd.s32 $0xFFFFFFFF  }
0xb5: {  	_ =	strace $0x90000048  }
0xb6: {  	_ =	sfence  }
0xb7: {  	s30 =	sld [smem:$0x0];
	_ =	sdelay $0x2  }
0xb8: {  	s31 =	sshll.u32 s1, $0xD;
	s1 =	sshrl.u32 s1, $0x2  }
0xb9: {  	s3 =	sand.u32 $0x4000, s31;
	s1 =	sadd.s32 s1, s30  }
0xba: {  	s0 =	sor.u32 s3, s0;
	s1 =	sshll.u32 s1, $0x11  }
0xbb: {  	s0 =	sor.u32 s1, s0  }
0xbc: {  	s0 =	sadd.s32 $0x8F2B, s0  }
0xbd: {  	[sflag:s0] =	ssyncadd.remote.s32 $0x1  }
0xbe: {  	_ =	sfence.sel $0xFFFF  }
0xbf: {  	[dreg:$0x0] =	wrdreg $0xFFFFFFFF;
	(pc) =	sbr.abs _section_cstart, $3  }
0xc0: {  	[dreg:$0x1] =	wrdreg $0xFFFFFFFF  }
0xc1: {  	_ =	task.clear_ibuf [dreg:s7], $0x2FFFF;
	_ =	strace $0x9FFFFFFF  }
0xc2: {  	(tm) =	ssettm $0x7FFFFFFF  }
0xc3: {  	_ =	shalt  }
tec
execute0_lowered:
.L_overlay_start_1:
0x0: {  	(tag) =	ssettag $0x1  }
0x1: {  	s1 =	srdreg.scid  }
0x2: {  	s0 =	stileid.u32;
	s4 =	rddreg [dreg:$0x0]  }
0x3: {  	s8 =	rddreg [dreg:$0x1];
	s2 =	simm.s32 $0x0;
	s10 =	smul.u32 $0x6800, s0  }
0x4: {  	s13 =	simm.s32 $0x0;
	s5 =	sand.u32 $0x1, s1;
	s12 =	smul.u32 $0x68000, s0  }
0x5: {  	s26 =	sshll.u32 s0, $0x1;
	s1 =	rddreg [dreg:$0x2];
	s29 =	smul.u32 $0x34000, s5  }
0x6: {  	[smem:$0x7FF] =	sst s2;
	s3 =	sor.u32 s5, s26;
	s30 =	smul.u32 $0x3400, s5  }
0x7: {  	_ =	strace $0x80000047;
	s9 =	ssub.s32 $0x2, s5;
	s6 =	smul.u32 $0x680, s3  }
0x8: {  	s7 =	smul.u32 $0x34000, s3;
	s3 =	sadd.s32 $0x27ACA00, s4;
	s11 =	sshrl.u32 s9, $0x1  }
0x9: {  	s28 =	ssub.s32 s9, s11;
	s9 =	sadd.s32 s29, s12;
	s11 =	simm.s32 $0x2  }
0xa: {  	s12 =	simm.s32 $0x3C00;
	s4 =	sadd.s32 s6, s4;
	s7 =	sshrl.u32 s7, $0x3  }
0xb: {  	s5 =	smax.u32 s28, $0x1;
	s9 =	sshrl.u32 s9, $0x3;
	s4 =	sadd.s32 $0x600, s4  }
0xc: {  	s31 =	sadd.s32 s8, s7;
	s7 =	sadd.s32 s30, s10;
	s8 =	sadd.s32 s9, s8  }
0xd: {  	v0 =	vlaneseq.u32;
	s9 =	simm.s32 $0x3;
	s10 =	simm.s32 $0x3400;
	s6 =	sadd.s32 $0x6700, s31  }
.LBB2_1:
0xe: {  	[tilespmem:s2], [sflag:$0x3] =	stream.linear.gather [hbm4b:s4+s2], $0x3400, $0x38;
	[tilespmem:$0x4400] =	vst v63  }
0xf: {  	s14 =	sadd.s32 $0x0, s7  }
0x10: {  	v1 =	vor.u32 s14, v0;
	s15 =	sadd.s32 $0x10, s14  }
0x11: {  	s20 =	sadd.s32 $0x20, s14;
	v2 =	vmulhi.u32 $0x4EC4EC4F, v1;
	v3 =	vor.u32 s15, v0  }
0x12: {  	s21 =	sadd.s32 $0x40, s14;
	v5 =	vor.u32 s20, v0;
	v4 =	vmulhi.u32 $0x4EC4EC4F, v3  }
0x13: {  	s22 =	sadd.s32 $0x50, s14;
	v7 =	vor.u32 s21, v0;
	v6 =	vmulhi.u32 $0x4EC4EC4F, v5  }
0x14: {  	s23 =	sadd.s32 $0x60, s14;
	v9 =	vor.u32 s22, v0;
	v8 =	vmulhi.u32 $0x4EC4EC4F, v7  }
0x15: {  	s24 =	sadd.s32 $0x70, s14;
	v11 =	vor.u32 s23, v0;
	v10 =	vmulhi.u32 $0x4EC4EC4F, v9  }
0x16: {  	_ =	swait.ge [sflag:s9], $0x3400;
	s16 =	sadd.s32 $0x30, s14;
	v13 =	vor.u32 s24, v0;
	v12 =	vmulhi.u32 $0x4EC4EC4F, v11;
	v2 =	vshrl.u32 v2, $0x3  }
0x17: {  	[sflag:s9] =	ssyncset.done $0x0;
	v14 =	vor.u32 s16, v0;
	v15 =	vmulhi.u32 $0x4EC4EC4F, v13;
	v2 =	vmul.u32 $0x1A, v2  }
0x18: {  	s14 =	simm.s32 $0x40;
	[sflag:s9] =	ssyncadd.s32 $0xFFFFCC00;
	v4 =	vshrl.u32 v4, $0x3;
	v6 =	vshrl.u32 v6, $0x3;
	v8 =	vshrl.u32 v8, $0x3  }
0x19: {  	v16 =	vld [tilespmem:s14+$0xFFFFFFC0];
	v10 =	vshrl.u32 v10, $0x3;
	v12 =	vshrl.u32 v12, $0x3;
	v15 =	vshrl.u32 v15, $0x3  }
0x1a: {  	v17 =	vld [tilespmem:s14+$0xFFFFFFD0];
	v4 =	vmul.u32 $0x1A, v4;
	v6 =	vmul.u32 $0x1A, v6;
	v1 =	vsub.s32 v1, v2  }
0x1b: {  	v18 =	vld [tilespmem:s14+$0x0];
	v8 =	vmul.u32 $0x1A, v8;
	v10 =	vmul.u32 $0x1A, v10;
	v1 =	vmul.u32 $0x186A0, v1  }
0x1c: {  	v2 =	vld [tilespmem:s14+$0xFFFFFFE0];
	v3 =	vsub.s32 v3, v4;
	v4 =	vmul.u32 $0x1A, v12;
	v5 =	vsub.s32 v5, v6  }
0x1d: {  	v7 =	vsub.s32 v7, v8;
	v8 =	vmul.u32 $0x1A, v15;
	v3 =	vmul.u32 $0x186A0, v3  }
0x1e: {  	v12 =	vld [tilespmem:s14+$0x20];
	v9 =	vsub.s32 v9, v10;
	v5 =	vmul.u32 $0x186A0, v5;
	v7 =	vmul.u32 $0x186A0, v7  }
0x1f: {  	s25 =	sadd.s32 $0x80, s7;
	v6 =	vld [tilespmem:s14+$0x10];
	v1 =	vadd.s32 v1, v16;
	v4 =	vsub.s32 v11, v4;
	v3 =	vadd.s32 v3, v17  }
0x20: {  	s28 =	sadd.s32 $0x20, s25;
	v11 =	vadd.s32 v7, v18;
	v7 =	vmul.u32 $0x186A0, v4;
	v4 =	vsub.s32 v13, v8  }
0x21: {  	s29 =	sadd.s32 $0x40, s25;
	v13 =	vmulhi.u32 $0x4EC4EC4F, v14;
	v8 =	vor.u32 s28, v0;
	v5 =	vadd.s32 v5, v2  }
0x22: {  	s26 =	sadd.s32 $0x10, s25;
	v2 =	vmul.u32 $0x186A0, v9;
	v20 =	vmulhi.u32 $0x4EC4EC4F, v8;
	v9 =	vor.u32 s29, v0  }
0x23: {  	s15 =	sadd.s32 $0x70, s25;
	v10 =	vld [tilespmem:s14+$0x30];
	[tilespmem:s14+$0xFFFFFFC0] =	vst v1;
	v16 =	vadd.s32 v7, v12;
	v7 =	vor.u32 s26, v0;
	v1 =	vshrl.u32 v13, $0x3  }
0x24: {  	v13 =	vmulhi.u32 $0x4EC4EC4F, v9;
	[tilespmem:s14+$0xFFFFFFE0] =	vst v5;
	v5 =	vor.u32 s15, v0;
	v15 =	vadd.s32 v2, v6  }
0x25: {  	s31 =	sadd.s32 $0x60, s25;
	v2 =	vmul.u32 $0x186A0, v4;
	v4 =	vor.u32 s25, v0;
	v17 =	vmulhi.u32 $0x4EC4EC4F, v7  }
0x26: {  	s17 =	sadd.s32 $0x30, s25;
	[tilespmem:s14+$0xFFFFFFD0] =	vst v3;
	v3 =	vmul.u32 $0x1A, v1;
	v6 =	vor.u32 s31, v0;
	v12 =	vmulhi.u32 $0x4EC4EC4F, v4  }
0x27: {  	s30 =	sadd.s32 $0x50, s25;
	v1 =	vor.u32 s17, v0;
	v22 =	vmulhi.u32 $0x4EC4EC4F, v6;
	[tilespmem:s14+$0x10] =	vst v15;
	v15 =	vshrl.u32 v13, $0x3  }
0x28: {  	v19 =	vadd.s32 v2, v10;
	v10 =	vor.u32 s30, v0;
	v3 =	vsub.s32 v14, v3  }
0x29: {  	[tilespmem:s14+$0x0] =	vst v11;
	v18 =	vshrl.u32 v17, $0x3;
	v17 =	vshrl.u32 v20, $0x3;
	v21 =	vmulhi.u32 $0x4EC4EC4F, v10  }
0x2a: {  	s15 =	simm.s32 $0xC0;
	[tilespmem:s14+$0x20] =	vst v16;
	v2 =	vld [tilespmem:s14+$0xFFFFFFF0];
	v11 =	vshrl.u32 v12, $0x3;
	v12 =	vmulhi.u32 $0x4EC4EC4F, v5;
	v3 =	vmul.u32 $0x186A0, v3  }
0x2b: {  	s16 =	simm.s32 $0x100;
	[tilespmem:s14+$0x30] =	vst v19;
	v13 =	vshrl.u32 v22, $0x3;
	v14 =	vmul.u32 $0x1A, v11;
	v11 =	vld [tilespmem:s15+$0xFFFFFFC0];
	v16 =	vshrl.u32 v21, $0x3  }
.LBB2_2:
0x2c: {  	p0 =	sne.s32 s16, $0x3380;
	v18 =	vmul.u32 $0x1A, v18;
	v19 =	vld [tilespmem:s15+$0xFFFFFFD0];
	v17 =	vmul.u32 $0x1A, v17;
	v12 =	vshrl.u32 v12, $0x3  }
0x2d: {  	v4 =	vsub.s32 v4, v14;
	v15 =	vmul.u32 $0x1A, v15;
	v16 =	vmul.u32 $0x1A, v16;
	v14 =	vld [tilespmem:s15+$0xFFFFFFE0]  }
0x2e: {  	v13 =	vmul.u32 $0x1A, v13;
	v4 =	vmul.u32 $0x186A0, v4;
	v7 =	vsub.s32 v7, v18;
	v18 =	vld [tilespmem:s15+$0x0]  }
0x2f: {  	v12 =	vmul.u32 $0x1A, v12;
	v8 =	vsub.s32 v8, v17;
	v7 =	vmul.u32 $0x186A0, v7;
	v17 =	vld [tilespmem:s15+$0x10]  }
0x30: {  	v9 =	vsub.s32 v9, v15;
	v8 =	vmul.u32 $0x186A0, v8;
	v4 =	vadd.s32 v4, v11;
	v11 =	vld [tilespmem:s15+$0x20]  }
0x31: {  	[tilespmem:s15+$0xFFFFFFC0] =	vst v4;
	v4 =	vadd.s32 v7, v19;
	v7 =	vmul.u32 $0x186A0, v9;
	v9 =	vsub.s32 v10, v16;
	v10 =	vld [tilespmem:s15+$0x30]  }
0x32: {  	v6 =	vsub.s32 v6, v13;
	[tilespmem:s15+$0xFFFFFFD0] =	vst v4;
	v4 =	vadd.s32 v8, v14;
	v14 =	vld [tilespmem:s15+$0xFFFFFFF0];
	v8 =	vmul.u32 $0x186A0, v9  }
0x33: {  	v6 =	vmul.u32 $0x186A0, v6;
	v5 =	vsub.s32 v5, v12;
	[tilespmem:s15+$0xFFFFFFE0] =	vst v4;
	v4 =	vadd.s32 v7, v18  }
0x34: {  	s17 =	sadd.s32 s16, s7;
	v12 =	vmulhi.u32 $0x4EC4EC4F, v1;
	v5 =	vmul.u32 $0x186A0, v5;
	[tilespmem:s15+$0x0] =	vst v4;
	v7 =	vadd.s32 v8, v17  }
0x35: {  	v3 =	vadd.s32 v3, v2;
	s18 =	sadd.s32 $0x10, s17;
	s19 =	sadd.s32 $0x30, s17;
	v4 =	vor.u32 s17, v0;
	[tilespmem:s15+$0x10] =	vst v7;
	v6 =	vadd.s32 v6, v11  }
0x36: {  	v11 =	vmulhi.u32 $0x4EC4EC4F, v4;
	v7 =	vor.u32 s18, v0;
	s18 =	sadd.s32 $0x20, s17;
	[tilespmem:s15+$0x20] =	vst v6;
	v5 =	vadd.s32 v5, v10  }
0x37: {  	v15 =	vor.u32 s19, v0;
	v13 =	vmulhi.u32 $0x4EC4EC4F, v7;
	v8 =	vor.u32 s18, v0;
	s18 =	sadd.s32 $0x40, s17;
	[tilespmem:s15+$0x30] =	vst v5;
	v2 =	vmovc v14  }
0x38: {  	v16 =	vmulhi.u32 $0x4EC4EC4F, v8;
	v9 =	vor.u32 s18, v0;
	s18 =	sadd.s32 $0x50, s17;
	v5 =	vshrl.u32 v12, $0x3;
	[tilespmem:s14+$0xFFFFFFF0] =	vst v3;
	s14 =	smov.u32 s15  }
0x39: {  	v19 =	vmulhi.u32 $0x4EC4EC4F, v9;
	v10 =	vor.u32 s18, v0;
	s18 =	sadd.s32 $0x60, s17;
	v3 =	vmul.u32 $0x1A, v5  }
.Ltmp0:
0x3a: {  	s17 =	sadd.s32 $0x70, s17;
	v20 =	vmulhi.u32 $0x4EC4EC4F, v10;
	v6 =	vor.u32 s18, v0;
	(pc) =	sbr.rel @p0 .LBB2_2-.Ltmp0, $4  }
0x3b: {  	v5 =	vor.u32 s17, v0;
	v21 =	vmulhi.u32 $0x4EC4EC4F, v6;
	v3 =	vsub.s32 v1, v3;
	v1 =	vmovc v15  }
0x3c: {  	v11 =	vshrl.u32 v11, $0x3;
	v12 =	vmulhi.u32 $0x4EC4EC4F, v5;
	v3 =	vmul.u32 $0x186A0, v3  }
0x3d: {  	v14 =	vmul.u32 $0x1A, v11;
	v18 =	vshrl.u32 v13, $0x3;
	s15 =	sadd.s32 $0x80, s15;
	v17 =	vshrl.u32 v16, $0x3  }
0x3e: {  	s16 =	sadd.s32 $0x80, s16;
	v15 =	vshrl.u32 v19, $0x3;
	v16 =	vshrl.u32 v20, $0x3;
	v13 =	vshrl.u32 v21, $0x3;
	v11 =	vld [tilespmem:s15+$0xFFFFFFC0]  }
0x3f: {  	v18 =	vmul.u32 $0x1A, v18;
	v17 =	vmul.u32 $0x1A, v17;
	v4 =	vsub.s32 v4, v14  }
0x40: {  	v19 =	vld [tilespmem:s15+$0xFFFFFFD0];
	v12 =	vshrl.u32 v12, $0x3;
	v15 =	vmul.u32 $0x1A, v15;
	v16 =	vmul.u32 $0x1A, v16  }
0x41: {  	v49 =	vld [tilespmem:s15+$0xFFFFFFE0];
	v13 =	vmul.u32 $0x1A, v13;
	v55 =	vmulhi.u32 $0x4EC4EC4F, v1;
	v4 =	vmul.u32 $0x186A0, v4  }
0x42: {  	v50 =	vld [tilespmem:s15+$0x0];
	v12 =	vmul.u32 $0x1A, v12;
	v7 =	vsub.s32 v7, v18;
	v8 =	vsub.s32 v8, v17  }
0x43: {  	v51 =	vld [tilespmem:s15+$0x10];
	v9 =	vsub.s32 v9, v15;
	v54 =	vsub.s32 v10, v16;
	v7 =	vmul.u32 $0x186A0, v7  }
0x44: {  	v52 =	vld [tilespmem:s15+$0x20];
	v6 =	vsub.s32 v6, v13;
	v8 =	vmul.u32 $0x186A0, v8;
	v4 =	vadd.s32 v4, v11  }
0x45: {  	v56 =	vld [tilespmem:s15+$0x30];
	v10 =	vshrl.u32 v55, $0x3;
	v53 =	vmul.u32 $0x186A0, v9;
	v7 =	vadd.s32 v7, v19;
	[tilespmem:s15+$0xFFFFFFC0] =	vst v4  }
0x46: {  	v58 =	vmul.u32 $0x186A0, v54;
	v6 =	vmul.u32 $0x186A0, v6;
	v57 =	vadd.s32 v8, v49;
	[tilespmem:s15+$0xFFFFFFD0] =	vst v7  }
0x47: {  	v59 =	vld [tilespmem:s15+$0xFFFFFFF0];
	v5 =	vsub.s32 v5, v12;
	v60 =	vmul.u32 $0x1A, v10;
	v4 =	vadd.s32 v53, v50;
	[tilespmem:s15+$0xFFFFFFE0] =	vst v57  }
0x48: {  	v5 =	vmul.u32 $0x186A0, v5;
	v61 =	vadd.s32 v58, v51;
	[tilespmem:s15+$0x0] =	vst v4  }
0x49: {  	v62 =	vadd.s32 v6, v52;
	v1 =	vsub.s32 v1, v60;
	[tilespmem:s15+$0x10] =	vst v61  }
0x4a: {  	[tilespmem:s15+$0x20] =	vst v62;
	v63 =	vadd.s32 v5, v56;
	v1 =	vmul.u32 $0x186A0, v1  }
0x4b: {  	v2 =	vadd.s32 v3, v2;
	[tilespmem:s15+$0x30] =	vst v63  }
0x4c: {  	s30 =	simm.s32 $0x0;
	[tilespmem:s14+$0xFFFFFFF0] =	vst v2;
	v1 =	vadd.s32 v1, v59  }
0x4d: {  	s14 =	simm.s32 $0x80;
	[tilespmem:s15+$0xFFFFFFF0] =	vst v1;
	s15 =	sand.u32 $0x1, s30  }
0x4e: {  	[tilespmem:s10], [sflag:$0x1] =	stream.indirect.gather [hbm4b:s3+s14], $0x10, s30, s14, $0xb8;
	[tilespmem:$0x4400] =	vst v63  }
0x4f: {  	p0 =	seq.s32 s15, $0x1  }
0x50: {  	s15 =	simm.s32 @p0 $0x80;
	s16 =	simm.s32 @p0 $0x3400;
	s17 =	simm.s32 @p0 $0x2  }
0x51: {  	[tilespmem:s16], [sflag:$0x1] =	stream.indirect.gather @p0 [hbm4b:s3+s15], $0x10, s14, s15, $0xb8;
	[tilespmem:$0x4400] =	vst v63  }
0x52: {  	_ =	swait.ge @p0 [sflag:s17], $0x800  }
0x53: {  	[sflag:s17] =	ssyncset.done @p0 $0x0  }
0x54: {  	s15 =	simm.s32 @p0 $0x0;
	s16 =	simm.s32 @p0 $0x3C00;
	[sflag:s17] =	ssyncadd.s32 @p0 $0xFFFFF800  }
0x55: {  	[hbm4b:s8+s15] =	stream.linear.scatter @p0 [tilespmem:s16], [sflag:$0x3], $0x800, $0x38;
	[tilespmem:$0x4400] =	vst v63  }
0x56: {  	s18 =	simm.s32 @!p0 $0x1;
	s15 =	simm.s32 @!p0 $0x80;
	s16 =	simm.s32 @!p0 $0x3C00  }
0x57: {  	[tilespmem:s16], [sflag:$0x2] =	stream.indirect.gather @!p0 [hbm4b:s3+s15], $0x10, s14, s15, $0xb8;
	[tilespmem:$0x4400] =	vst v63  }
0x58: {  	s17 =	simm.s32 @!p0 $0x4;
	_ =	swait.ge @!p0 [sflag:s18], $0x800  }
0x59: {  	s31 =	simm.s32 $0x1;
	s17 =	simm.s32 @p0 $0x3;
	[sflag:s18] =	ssyncset.done @!p0 $0x0  }
0x5a: {  	s15 =	simm.s32 @!p0 $0x3400;
	[sflag:s18] =	ssyncadd.s32 @!p0 $0xFFFFF800;
	s18 =	simm.s32 @!p0 $0x0  }
0x5b: {  	[hbm4b:s8+s18] =	stream.linear.scatter @!p0 [tilespmem:s15], [sflag:$0x4], $0x800, $0x38;
	[tilespmem:$0x4400] =	vst v63  }
0x5c: {  	s16 =	simm.s32 $0x2;
	s14 =	sand.u32 $0x1, s31;
	s15 =	simm.s32 $0x100  }
0x5d: {  	p0 =	seq.s32 s14, $0x1;
	s14 =	sadd.s32 $0x100, s8;
	_ =	swait.ge [sflag:s17], $0x800  }
.LBB2_4:
0x5e: {  	s18 =	simm.s32 @p0 $0x80;
	s19 =	simm.s32 @p0 $0x3400  }
0x5f: {  	[sflag:s17] =	ssyncset.done $0x0;
	s20 =	smov.u32 s16;
	s21 =	smov.u32 s15  }
0x60: {  	s16 =	sadd.s32 $0x1, s16;
	s22 =	simm.s32 @p0 $0x2;
	[sflag:s17] =	ssyncadd.s32 $0xFFFFF800  }
0x61: {  	[tilespmem:s19], [sflag:$0x1] =	stream.indirect.gather @p0 [hbm4b:s3+s18], $0x10, s15, s18, $0xb8;
	[tilespmem:$0x4400] =	vst v63  }
0x62: {  	p1 =	sne.s32 s16, $0x67;
	_ =	swait.ge @p0 [sflag:s22], $0x800  }
0x63: {  	s15 =	sadd.s32 $0x80, s15;
	[sflag:s22] =	ssyncset.done @p0 $0x0  }
0x64: {  	s17 =	simm.s32 @p0 $0x0;
	s18 =	simm.s32 @p0 $0x3C00;
	[sflag:s22] =	ssyncadd.s32 @p0 $0xFFFFF800  }
0x65: {  	[hbm4b:s14+s17] =	stream.linear.scatter @p0 [tilespmem:s18], [sflag:$0x3], $0x800, $0x38;
	[tilespmem:$0x4400] =	vst v63  }
0x66: {  	s19 =	simm.s32 @!p0 $0x1;
	s17 =	simm.s32 @!p0 $0x80;
	s18 =	simm.s32 @!p0 $0x3C00  }
0x67: {  	[tilespmem:s18], [sflag:$0x2] =	stream.indirect.gather @!p0 [hbm4b:s3+s17], $0x10, s21, s17, $0xb8;
	[tilespmem:$0x4400] =	vst v63  }
.Ltmp1:
0x68: {  	s18 =	sand.u32 $0x1, s20;
	_ =	swait.ge @!p0 [sflag:s19], $0x800;
	(pc) =	sbr.rel @p1 .LBB2_4-.Ltmp1, $4  }
0x69: {  	s20 =	simm.s32 @!p0 $0x3400;
	s17 =	simm.s32 @!p0 $0x4;
	[sflag:s19] =	ssyncset.done @!p0 $0x0  }
0x6a: {  	s17 =	simm.s32 @p0 $0x3;
	[sflag:s19] =	ssyncadd.s32 @!p0 $0xFFFFF800;
	s19 =	simm.s32 @!p0 $0x0  }
0x6b: {  	[hbm4b:s14+s19] =	stream.linear.scatter @!p0 [tilespmem:s20], [sflag:$0x4], $0x800, $0x38;
	[tilespmem:$0x4400] =	vst v63  }
0x6c: {  	p0 =	seq.s32 s18, $0x1;
	s14 =	sadd.s32 $0x100, s14;
	_ =	swait.ge [sflag:s17], $0x800  }
0x6d: {  	s16 =	simm.s32 @p0 $0x80;
	[sflag:s17] =	ssyncset.done $0x0  }
0x6e: {  	s18 =	simm.s32 @p0 $0x3400;
	s19 =	simm.s32 @p0 $0x2;
	[sflag:s17] =	ssyncadd.s32 $0xFFFFF800  }
0x6f: {  	[tilespmem:s18], [sflag:$0x1] =	stream.indirect.gather @p0 [hbm4b:s3+s16], $0x10, s15, s16, $0xb8;
	[tilespmem:$0x4400] =	vst v63  }
0x70: {  	_ =	swait.ge @p0 [sflag:s19], $0x800  }
0x71: {  	[sflag:s19] =	ssyncset.done @p0 $0x0  }
0x72: {  	s17 =	simm.s32 @p0 $0x3C00;
	s16 =	simm.s32 @p0 $0x0;
	[sflag:s19] =	ssyncadd.s32 @p0 $0xFFFFF800  }
0x73: {  	[hbm4b:s14+s16] =	stream.linear.scatter @p0 [tilespmem:s17], [sflag:$0x3], $0x800, $0x38;
	[tilespmem:$0x4400] =	vst v63  }
0x74: {  	s18 =	simm.s32 @!p0 $0x1;
	s16 =	simm.s32 @!p0 $0x80;
	s17 =	simm.s32 @!p0 $0x3C00  }
0x75: {  	[tilespmem:s17], [sflag:$0x2] =	stream.indirect.gather @!p0 [hbm4b:s3+s16], $0x10, s15, s16, $0xb8;
	[tilespmem:$0x4400] =	vst v63  }
0x76: {  	_ =	swait.ge @!p0 [sflag:s18], $0x800  }
0x77: {  	s15 =	simm.s32 @!p0 $0x3400;
	s16 =	simm.s32 @!p0 $0x4;
	[sflag:s18] =	ssyncset.done @!p0 $0x0  }
0x78: {  	s17 =	simm.s32 @!p0 $0x0;
	s16 =	simm.s32 @p0 $0x3;
	[sflag:s18] =	ssyncadd.s32 @!p0 $0xFFFFF800  }
0x79: {  	[hbm4b:s14+s17] =	stream.linear.scatter @!p0 [tilespmem:s15], [sflag:$0x4], $0x800, $0x38;
	[tilespmem:$0x4400] =	vst v63  }
0x7a: {  	_ =	swait.ge [sflag:s16], $0x800  }
0x7b: {  	[sflag:s16] =	ssyncset.done $0x0  }
0x7c: {  	[sflag:s16] =	ssyncadd.s32 $0xFFFFF800  }
0x7d: {  	s13 =	sadd.s32 $0x1, s13;
	_ =	swait.ge [sflag:s11], $0x800  }
0x7e: {  	p0 =	sne.s32 s13, s5;
	[sflag:s11] =	ssyncset.done $0x0  }
.Ltmp2:
0x7f: {  	[sflag:s11] =	ssyncadd.s32 $0xFFFFF800;
	(pc) =	sbr.rel @p0 .LBB2_1-.Ltmp2, $4  }
0x80: {  	[hbm4b:s6+s2] =	stream.linear.scatter [tilespmem:s12], [sflag:$0x3], $0x800, $0x38;
	[tilespmem:$0x4400] =	vst v63  }
0x81: {  	_ =	swait.ge [sflag:s9], $0x800  }
0x82: {  	[sflag:s9] =	ssyncset.done $0x0  }
0x83: {  	[sflag:s9] =	ssyncadd.s32 $0xFFFFF800  }
0x84: {  	_ =	sfence.sel $0x180000  }
0x85: {  	[bflag:$0x0] =	sbarrier.arrive $0xFFFF  }
0x86: {  	p0 =	sne.s32 s0, $0x0;
	_ =	strace $0x90000047  }
0x87: {  	s0 =	sadd.s32 @!p0 $0x100000, s1;
	[bflag:$0x2] =	sbarrier.arrive $0xFFFF  }
0x88: {  	[sflag:s0] =	ssyncadd.tile.s32 @!p0 $0x1;
	_ =	shalt  }
.Lfunc_end2:
_tile_overlayer_lowered:
.L_overlay_start_2:
0x89: {  	(tag) =	ssettag $0x2  }
0x8a: {  	s0 =	rddreg [dreg:$0x0];
	s2 =	stileid.u32  }
0x8b: {  	s1 =	rddreg [dreg:$0x1];
	p0 =	sne.s32 s2, $0x0  }
0x8c: {  	s3 =	rddreg [dreg:$0x2];
	[bflag:$0x3] =	sbarrier.arrive $0xFFFF;
	s2 =	simm.s32 @!p0 $0x1C03  }
0x8d: {  	[timem:s3], [sflag:s2] =	dma.local @!p0 [hbm:s0], s1  }
0x8e: {  	s0 =	simm.s32 @!p0 $0x3  }
0x8f: {  	_ =	swait.ge @!p0 [sflag:s0], s1  }
0x90: {  	s1 =	ssub.s32 @!p0 $0x0, s1;
	[sflag:s0] =	ssyncset.done @!p0 $0x0  }
0x91: {  	[sflag:s0] =	ssyncadd.s32 @!p0 s1  }
0x92: {  	[bflag:$0x3] =	sbarrier.arrive $0xFFFF  }
0x93: {  	_ =	shalt  }

</sc_bundles>
